<compile_context>
chip_gen: v7x
topology: tpu7x:2x2x1
jax: 0.10.2.dev20260603
libtpu: 0.0.44.dev20260713+nightly
codegen_flags: <defaults>
</compile_context>

<pallas_src>
import functools

import jax
import jax.numpy as jnp
from jax import lax
from jax.experimental import pallas as pl
from jax.experimental.pallas import tpu as pltpu
from jax.experimental.pallas import tpu_sc as plsc

_B, _S, _P = 16, 50, 4
_V, _D = 100000, 64
_T = _B * _S
_TV = 4096
_NT = (_V + _TV - 1) // _TV
_NC, _NS = 2, 16
_NW = _NC * _NS
_GP = 3328
_BPW = _GP // _NW
_D2 = 2 * _D
_LN = 128

@functools.lru_cache(maxsize=1)
def _make_sc_gather():
    mesh = plsc.VectorSubcoreMesh(core_axis_name="c", subcore_axis_name="s")

    @functools.partial(
        pl.kernel,
        mesh=mesh,
        out_type=jax.ShapeDtypeStruct((_GP, _D2), jnp.float32),
        scratch_types=[
            pltpu.VMEM((_BPW,), jnp.int32),
            pltpu.VMEM((_BPW, _D2), jnp.float32),
            pltpu.SemaphoreType.DMA,
        ],
    )
    def _sc_gather(table_hbm, idx_hbm, out_hbm, idx_v, rows_v, sem):
        wid = lax.axis_index("s") * _NC + lax.axis_index("c")
        base = wid * _BPW
        pltpu.sync_copy(idx_hbm.at[pl.ds(base, _BPW)], idx_v)
        pltpu.async_copy(table_hbm.at[idx_v], rows_v, sem).wait()
        pltpu.sync_copy(rows_v, out_hbm.at[pl.ds(base, _BPW)])

    return _sc_gather


def _bce_body(e_ref, w_ref, lbl_ref, tm_ref, g_ref, out_ref, acc_t_ref):
    i = pl.program_id(0)
    e = e_ref[...]
    wt = w_ref[...]
    row = lax.broadcasted_iota(jnp.int32, (_TV, _D), 0)
    wt = jnp.where(row < _V - i * _TV, wt, 0.0)
    ec = e * 1.4426950408889634
    u = lax.dot_general(
        ec, wt, (((1,), (1,)), ((), ())), preferred_element_type=jnp.float32
    )
    nslice = _TV // _LN
    ft = None
    for k0 in range(0, nslice, 8):
        m = 1.0 + jnp.exp2(u[:, k0 * _LN : (k0 + 1) * _LN])
        for j in range(1, 8):
            ks = (k0 + j) * _LN
            m = m * (1.0 + jnp.exp2(u[:, ks : ks + _LN]))
        tg = jnp.log2(m)
        ft = tg if ft is None else ft + tg

    @pl.when(i == 0)
    def _init():
        out_ref[...] = jnp.zeros((1, 1), jnp.float32)
        acc_t_ref[...] = jnp.zeros((_T, _LN), jnp.float32)

    acc_t_ref[...] += ft

    @pl.when(i == _NT - 1)
    def _fin():
        st = jnp.sum(acc_t_ref[...], axis=1, keepdims=True)
        row_total = 0.6931471805599453 * st
        tm = tm_ref[...]
        w_tok = (jnp.sum(tm, axis=1, keepdims=True) > 0).astype(jnp.float32)
        total = jnp.sum(row_total * w_tok)
        g = g_ref[...]
        lbl = lbl_ref[...]
        corr = jnp.float32(0.0)
        for p in range(_P):
            gp = g[p * _T : (p + 1) * _T, :]
            dots_lo = jnp.sum(gp[:, :_D] * e, axis=1, keepdims=True)
            dots_hi = jnp.sum(gp[:, _D:] * e, axis=1, keepdims=True)
            par = lbl[:, p : p + 1] % 2
            dots = jnp.where(par == 1, dots_hi, dots_lo)
            dp = w_tok
            for q in range(p):
                dp = dp * (lbl[:, p : p + 1] != lbl[:, q : q + 1]).astype(
                    jnp.float32
                )
            corr += jnp.sum(dots * dp)
        nv_sum = jnp.sum(w_tok)
        pad = jnp.float32(0.6931471805599453 * (_NT * _TV - _V)) * nv_sum
        nv = jnp.maximum(nv_sum, 1.0)
        out_ref[...] = jnp.full((1, 1), (total - corr - pad) / nv, jnp.float32)


def kernel(model_embeddings, feature_tensors, positive_labels, negative_labels, padding_mask, target_padding_mask, W_items):
    e2 = model_embeddings.reshape(_T, _D)
    lbl2 = positive_labels.reshape(_T, _P).astype(jnp.int32)
    tm2 = target_padding_mask.reshape(_T, _P).astype(jnp.float32)
    idx_pm = lbl2.T.reshape(-1)
    idx_pad = jnp.concatenate(
        [idx_pm // 2, jnp.zeros((_GP - _P * _T,), jnp.int32)]
    )
    w_pairs = W_items.reshape(_V // 2, _D2)
    g = _make_sc_gather()(w_pairs, idx_pad)
    out = pl.pallas_call(
        _bce_body,
        grid=(_NT,),
        in_specs=[
            pl.BlockSpec((_T, _D), lambda i: (0, 0)),
            pl.BlockSpec((_TV, _D), lambda i: (i, 0)),
            pl.BlockSpec((_T, _P), lambda i: (0, 0)),
            pl.BlockSpec((_T, _P), lambda i: (0, 0)),
            pl.BlockSpec((_P * _T, _D2), lambda i: (0, 0)),
        ],
        out_specs=pl.BlockSpec((1, 1), lambda i: (0, 0)),
        out_shape=jax.ShapeDtypeStruct((1, 1), jnp.float32),
        scratch_shapes=[
            pltpu.VMEM((_T, _LN), jnp.float32),
        ],
        compiler_params=pltpu.CompilerParams(
            dimension_semantics=("arbitrary",),
        ),
    )(e2, W_items, lbl2, tm2, g)
    return out[0, 0]

# --- scband reference (transcript-rebuilt; emitter-appended) ---
"""Pipeline reference for scband-bce-56633438765070 (READ-ONLY COPY).

The authoritative reference and input builder live on the scoring server;
editing this copy changes nothing except your own understanding.
"""

import jax, jax.numpy as jnp
import numpy as np

B, S, P = 16, 50, 4
VOCAB, D = 100000, 64


def setup_inputs(seed: int = 0) -> dict:
    key = jax.random.key(seed)
    k1, k2, k3, k4 = jax.random.split(key, 4)
    return {
        "model_embeddings": jax.random.normal(k1, (B, S, D), dtype=jnp.float32),
        "feature_tensors": jnp.zeros((1,), dtype=jnp.float32),
        "positive_labels": jax.random.randint(k2, (B, S, P), 0, VOCAB),
        "negative_labels": jax.random.randint(k3, (B, S, P), 0, VOCAB),
        "padding_mask": jnp.ones((B, S), dtype=bool),
        "target_padding_mask": jnp.ones((B, S, P), dtype=bool),
        "W_items": jax.random.normal(k4, (VOCAB, D), dtype=jnp.float32) * 0.02,
    }


def reference(model_embeddings, feature_tensors, positive_labels, negative_labels, padding_mask, target_padding_mask, W_items):
    # logits_callback: full-catalog logits via item-embedding head
    logits = jnp.einsum('bsd,vd->bsv', model_embeddings, W_items)  # (B, S, VOCAB)
    # collapse multi-positive padding mask: (B, S, P) -> (B, S)
    mask2d = jnp.sum(target_padding_mask.astype(jnp.int32), axis=-1) > 0
    # scatter positives into one-hot BCE label tensor (multi-positive)
    b_idx = jnp.arange(B)[:, None, None]
    s_idx = jnp.arange(S)[None, :, None]
    bce_labels = jnp.zeros((B, S, VOCAB), dtype=logits.dtype).at[b_idx, s_idx, positive_labels].set(1.0)
    # BCEWithLogits (reduction='sum') restricted to valid positions, divided by count of valid tokens
    per_elem = jnp.maximum(logits, 0.0) - logits * bce_labels + jnp.log1p(jnp.exp(-jnp.abs(logits)))
    w = mask2d.astype(logits.dtype)[:, :, None]
    total = jnp.sum(per_elem * w)
    n_valid = jnp.maximum(jnp.sum(mask2d.astype(logits.dtype)), 1.0)
    loss = total / n_valid
    return loss

if __name__ == "__main__":
    import jax
    _d = setup_inputs()
    print(jax.jit(kernel)(*tuple(_d.values())))

</pallas_src>

<mosaic_0001>
#map = affine_map<(d0, d1) -> (0, 0)>
#map1 = affine_map<(d0, d1) -> (0)>
module attributes {stable_mosaic.version = 14 : i64} {
  func.func @_sc_gather(%arg0: i32, %arg1: i32, %arg2: memref<50000x128xf32, #tpu.memory_space<hbm>>, %arg3: memref<3328xi32, #tpu.memory_space<hbm>>, %arg4: memref<3328x128xf32, #tpu.memory_space<hbm>>, %arg5: memref<104xi32, #tpu.memory_space<vmem>>, %arg6: memref<104x128xf32, #tpu.memory_space<vmem>>, %arg7: memref<!tpu.dma_semaphore, #tpu.memory_space<semaphore_mem>>) attributes {dimension_semantics = [#tpu.dimension_semantics<core_parallel>, #tpu.dimension_semantics<subcore_parallel>], iteration_bounds = array<i64: 2, 16>, scalar_prefetch = 0 : i64, scratch_operands = 3 : i64, tpu.core_type = #tpu.core_type<sc_vector_subcore>, window_params = [{transform_indices = #map}, {transform_indices = #map1}, {transform_indices = #map}]} {
    %mul3A = arith.constant 2 : i32
    %mul3A_0 = arith.muli %arg1, %mul3A : i32
    %add3A = arith.addi %mul3A_0, %arg0 : i32
    %mul3A_1 = arith.constant 104 : i32
    %mul3A_2 = arith.muli %add3A, %mul3A_1 : i32
    "tpu.region"() ({
      %run_scoped3A = tpu.sem_alloc : memref<!tpu.dma_semaphore, #tpu.memory_space<semaphore_mem>>
      %dma_start3A_7 = tpu.memref_slice %arg3[%mul3A_2] : memref<3328xi32, #tpu.memory_space<hbm>> -> memref<104xi32, #tpu.memory_space<hbm>>
      %dma_start3A_8 = tpu.memref_slice %arg3[%mul3A_2] : memref<3328xi32, #tpu.memory_space<hbm>> -> memref<104xi32, #tpu.memory_space<hbm>>
      tpu.enqueue_dma source(%dma_start3A_8 : memref<104xi32, #tpu.memory_space<hbm>>) target(%arg5 : memref<104xi32, #tpu.memory_space<vmem>>) target_semaphore(%run_scoped3A : memref<!tpu.dma_semaphore, #tpu.memory_space<semaphore_mem>>)
      %dma_wait3A_9 = tpu.memref_slice %arg3[%mul3A_2] : memref<3328xi32, #tpu.memory_space<hbm>> -> memref<104xi32, #tpu.memory_space<hbm>>
      %dma_wait3A_10 = tpu.memref_slice %arg3[%mul3A_2] : memref<3328xi32, #tpu.memory_space<hbm>> -> memref<104xi32, #tpu.memory_space<hbm>>
      tpu.wait_dma2 semaphore(%run_scoped3A : memref<!tpu.dma_semaphore, #tpu.memory_space<semaphore_mem>>) src(%dma_wait3A_10 : memref<104xi32, #tpu.memory_space<hbm>>) dst(%arg5 : memref<104xi32, #tpu.memory_space<vmem>>)
      tpu.yield
    }) : () -> ()
    %dma_start3A = arith.constant 0 : i32
    %dma_start3A_3 = arith.constant 0 : i32
    %dma_start3A_4 = tpu.memref_slice %arg2[%dma_start3A, %dma_start3A_3] : memref<50000x128xf32, #tpu.memory_space<hbm>> -> memref<50000x128xf32, #tpu.memory_space<hbm>>
    tpu.enqueue_indirect_dma source(%dma_start3A_4 : memref<50000x128xf32, #tpu.memory_space<hbm>>) target(%arg6 : memref<104x128xf32, #tpu.memory_space<vmem>>) offsets(%arg5 : memref<104xi32, #tpu.memory_space<vmem>>) semaphore(%arg7 : memref<!tpu.dma_semaphore, #tpu.memory_space<semaphore_mem>>)
    %dma_wait3A = arith.constant 0 : i32
    %dma_wait3A_5 = arith.constant 0 : i32
    %dma_wait3A_6 = tpu.memref_slice %arg2[%dma_wait3A, %dma_wait3A_5] : memref<50000x128xf32, #tpu.memory_space<hbm>> -> memref<50000x128xf32, #tpu.memory_space<hbm>>
    tpu.wait_indirect_dma semaphore(%arg7 : memref<!tpu.dma_semaphore, #tpu.memory_space<semaphore_mem>>) src(%dma_wait3A_6 : memref<50000x128xf32, #tpu.memory_space<hbm>>) dst(%arg6 : memref<104x128xf32, #tpu.memory_space<vmem>>)
    "tpu.region"() ({
      %run_scoped3A = tpu.sem_alloc : memref<!tpu.dma_semaphore, #tpu.memory_space<semaphore_mem>>
      %dma_start3A_7 = arith.constant 0 : i32
      %dma_start3A_8 = tpu.memref_slice %arg4[%mul3A_2, %dma_start3A_7] : memref<3328x128xf32, #tpu.memory_space<hbm>> -> memref<104x128xf32, #tpu.memory_space<hbm>>
      %dma_start3A_9 = arith.constant 0 : i32
      %dma_start3A_10 = tpu.memref_slice %arg4[%mul3A_2, %dma_start3A_9] : memref<3328x128xf32, #tpu.memory_space<hbm>> -> memref<104x128xf32, #tpu.memory_space<hbm>>
      tpu.enqueue_dma source(%arg6 : memref<104x128xf32, #tpu.memory_space<vmem>>) target(%dma_start3A_10 : memref<104x128xf32, #tpu.memory_space<hbm>>) target_semaphore(%run_scoped3A : memref<!tpu.dma_semaphore, #tpu.memory_space<semaphore_mem>>)
      %dma_wait3A_11 = arith.constant 0 : i32
      %dma_wait3A_12 = tpu.memref_slice %arg4[%mul3A_2, %dma_wait3A_11] : memref<3328x128xf32, #tpu.memory_space<hbm>> -> memref<104x128xf32, #tpu.memory_space<hbm>>
      %dma_wait3A_13 = arith.constant 0 : i32
      %dma_wait3A_14 = tpu.memref_slice %arg4[%mul3A_2, %dma_wait3A_13] : memref<3328x128xf32, #tpu.memory_space<hbm>> -> memref<104x128xf32, #tpu.memory_space<hbm>>
      tpu.wait_dma2 semaphore(%run_scoped3A : memref<!tpu.dma_semaphore, #tpu.memory_space<semaphore_mem>>) src(%arg6 : memref<104x128xf32, #tpu.memory_space<vmem>>) dst(%dma_wait3A_14 : memref<104x128xf32, #tpu.memory_space<hbm>>)
      tpu.yield
    }) : () -> ()
    return
  }
}

module attributes {stable_mosaic.version = 14 : i64} {
  func.func @_bce_body(%arg0: i32, %arg1: memref<800x64xf32, #tpu.memory_space<vmem>>, %arg2: memref<4096x64xf32, #tpu.memory_space<vmem>>, %arg3: memref<800x4xi32, #tpu.memory_space<vmem>>, %arg4: memref<800x4xf32, #tpu.memory_space<vmem>>, %arg5: memref<3200x128xf32, #tpu.memory_space<vmem>>, %arg6: memref<1x1xf32, #tpu.memory_space<vmem>>, %arg7: memref<800x128xf32, #tpu.memory_space<vmem>>) attributes {dimension_semantics = [#tpu.dimension_semantics<arbitrary>], iteration_bounds = array<i64: 25>, scalar_prefetch = 0 : i64, scratch_operands = 1 : i64, tpu.core_type = #tpu.core_type<tc>, window_params = [{pipeline_mode = #tpu.pipeline_mode<synchronous>, transform_indices = @transform_0, window_bounds = array<i64: 800, 64>}, {transform_indices = @transform_1, window_bounds = array<i64: 4096, 64>}, {pipeline_mode = #tpu.pipeline_mode<synchronous>, transform_indices = @transform_2, window_bounds = array<i64: 800, 4>}, {pipeline_mode = #tpu.pipeline_mode<synchronous>, transform_indices = @transform_3, window_bounds = array<i64: 800, 4>}, {transform_indices = @transform_4, window_bounds = array<i64: 3200, 128>}, {pipeline_mode = #tpu.pipeline_mode<synchronous>, transform_indices = @transform_5, window_bounds = array<i64: 1, 1>}]} {
    %get3A = arith.constant 0 : index
    %get3A_0 = arith.constant 0 : index
    %get3A_1 = vector.load %arg1[%get3A, %get3A_0] : memref<800x64xf32, #tpu.memory_space<vmem>>, vector<800x64xf32>
    %get3A_2 = arith.constant 0 : index
    %get3A_3 = arith.constant 0 : index
    %get3A_4 = vector.load %arg2[%get3A_2, %get3A_3] : memref<4096x64xf32, #tpu.memory_space<vmem>>, vector<4096x64xf32>
    %iota3A = tpu.iota {dimensions = array<i32: 0>} : vector<4096x64xi32>
    %mul3A = arith.constant 4096 : i32
    %mul3A_5 = arith.muli %arg0, %mul3A : i32
    %sub3A = arith.constant 100000 : i32
    %sub3A_6 = arith.subi %sub3A, %mul3A_5 : i32
    %lt3A = vector.broadcast %sub3A_6 : i32 to vector<4096x64xi32>
    %lt3A_7 = arith.cmpi slt, %iota3A, %lt3A : vector<4096x64xi32>
    %jit3A = arith.constant 0.000000e+00 : f32
    %broadcast_in_dim3A = vector.broadcast %jit3A : f32 to vector<4096x64xf32>
    %select_n3A = arith.select %lt3A_7, %get3A_4, %broadcast_in_dim3A : vector<4096x64xi1>, vector<4096x64xf32>
    %mul3A_8 = arith.constant 1.44269502 : f32
    %mul3A_9 = vector.broadcast %mul3A_8 : f32 to vector<800x64xf32>
    %mul3A_10 = arith.mulf %get3A_1, %mul3A_9 : vector<800x64xf32>
    %dot_general3A = arith.constant dense<0.000000e+00> : vector<800x4096xf32>
    %dot_general3A_11 = tpu.matmul %mul3A_10, %select_n3A, %dot_general3A {dimension_numbers = #tpu.dot_dimension_numbers<[1], [1], [0], [0], [0, 0, 1, 0], [], []>, transpose_lhs_hint = false} : vector<800x64xf32>, vector<4096x64xf32>, vector<800x4096xf32> -> vector<800x4096xf32>
    %slice3A = vector.extract_strided_slice %dot_general3A_11 {offsets = [0, 0], sizes = [800, 128], strides = [1, 1]} : vector<800x4096xf32> to vector<800x128xf32>
    %exp23A = math.exp2 %slice3A : vector<800x128xf32>
    %add3A = arith.constant 1.000000e+00 : f32
    %add3A_12 = vector.broadcast %add3A : f32 to vector<800x128xf32>
    %add3A_13 = arith.addf %add3A_12, %exp23A : vector<800x128xf32>
    %slice3A_14 = vector.extract_strided_slice %dot_general3A_11 {offsets = [0, 128], sizes = [800, 128], strides = [1, 1]} : vector<800x4096xf32> to vector<800x128xf32>
    %exp23A_15 = math.exp2 %slice3A_14 : vector<800x128xf32>
    %add3A_16 = arith.constant 1.000000e+00 : f32
    %add3A_17 = vector.broadcast %add3A_16 : f32 to vector<800x128xf32>
    %add3A_18 = arith.addf %add3A_17, %exp23A_15 : vector<800x128xf32>
    %mul3A_19 = arith.mulf %add3A_13, %add3A_18 : vector<800x128xf32>
    %slice3A_20 = vector.extract_strided_slice %dot_general3A_11 {offsets = [0, 256], sizes = [800, 128], strides = [1, 1]} : vector<800x4096xf32> to vector<800x128xf32>
    %exp23A_21 = math.exp2 %slice3A_20 : vector<800x128xf32>
    %add3A_22 = arith.constant 1.000000e+00 : f32
    %add3A_23 = vector.broadcast %add3A_22 : f32 to vector<800x128xf32>
    %add3A_24 = arith.addf %add3A_23, %exp23A_21 : vector<800x128xf32>
    %mul3A_25 = arith.mulf %mul3A_19, %add3A_24 : vector<800x128xf32>
    %slice3A_26 = vector.extract_strided_slice %dot_general3A_11 {offsets = [0, 384], sizes = [800, 128], strides = [1, 1]} : vector<800x4096xf32> to vector<800x128xf32>
    %exp23A_27 = math.exp2 %slice3A_26 : vector<800x128xf32>
    %add3A_28 = arith.constant 1.000000e+00 : f32
    %add3A_29 = vector.broadcast %add3A_28 : f32 to vector<800x128xf32>
    %add3A_30 = arith.addf %add3A_29, %exp23A_27 : vector<800x128xf32>
    %mul3A_31 = arith.mulf %mul3A_25, %add3A_30 : vector<800x128xf32>
    %slice3A_32 = vector.extract_strided_slice %dot_general3A_11 {offsets = [0, 512], sizes = [800, 128], strides = [1, 1]} : vector<800x4096xf32> to vector<800x128xf32>
    %exp23A_33 = math.exp2 %slice3A_32 : vector<800x128xf32>
    %add3A_34 = arith.constant 1.000000e+00 : f32
    %add3A_35 = vector.broadcast %add3A_34 : f32 to vector<800x128xf32>
    %add3A_36 = arith.addf %add3A_35, %exp23A_33 : vector<800x128xf32>
    %mul3A_37 = arith.mulf %mul3A_31, %add3A_36 : vector<800x128xf32>
    %slice3A_38 = vector.extract_strided_slice %dot_general3A_11 {offsets = [0, 640], sizes = [800, 128], strides = [1, 1]} : vector<800x4096xf32> to vector<800x128xf32>
    %exp23A_39 = math.exp2 %slice3A_38 : vector<800x128xf32>
    %add3A_40 = arith.constant 1.000000e+00 : f32
    %add3A_41 = vector.broadcast %add3A_40 : f32 to vector<800x128xf32>
    %add3A_42 = arith.addf %add3A_41, %exp23A_39 : vector<800x128xf32>
    %mul3A_43 = arith.mulf %mul3A_37, %add3A_42 : vector<800x128xf32>
    %slice3A_44 = vector.extract_strided_slice %dot_general3A_11 {offsets = [0, 768], sizes = [800, 128], strides = [1, 1]} : vector<800x4096xf32> to vector<800x128xf32>
    %exp23A_45 = math.exp2 %slice3A_44 : vector<800x128xf32>
    %add3A_46 = arith.constant 1.000000e+00 : f32
    %add3A_47 = vector.broadcast %add3A_46 : f32 to vector<800x128xf32>
    %add3A_48 = arith.addf %add3A_47, %exp23A_45 : vector<800x128xf32>
    %mul3A_49 = arith.mulf %mul3A_43, %add3A_48 : vector<800x128xf32>
    %slice3A_50 = vector.extract_strided_slice %dot_general3A_11 {offsets = [0, 896], sizes = [800, 128], strides = [1, 1]} : vector<800x4096xf32> to vector<800x128xf32>
    %exp23A_51 = math.exp2 %slice3A_50 : vector<800x128xf32>
    %add3A_52 = arith.constant 1.000000e+00 : f32
    %add3A_53 = vector.broadcast %add3A_52 : f32 to vector<800x128xf32>
    %add3A_54 = arith.addf %add3A_53, %exp23A_51 : vector<800x128xf32>
    %mul3A_55 = arith.mulf %mul3A_49, %add3A_54 : vector<800x128xf32>
    %log3A = math.log %mul3A_55 : vector<800x128xf32>
    %log3A_56 = arith.constant 2.000000e+00 : f32
    %log3A_57 = math.log %log3A_56 : f32
    %div3A = vector.broadcast %log3A_57 : f32 to vector<800x128xf32>
    %div3A_58 = arith.divf %log3A, %div3A : vector<800x128xf32>
    %slice3A_59 = vector.extract_strided_slice %dot_general3A_11 {offsets = [0, 1024], sizes = [800, 128], strides = [1, 1]} : vector<800x4096xf32> to vector<800x128xf32>
    %exp23A_60 = math.exp2 %slice3A_59 : vector<800x128xf32>
    %add3A_61 = arith.constant 1.000000e+00 : f32
    %add3A_62 = vector.broadcast %add3A_61 : f32 to vector<800x128xf32>
    %add3A_63 = arith.addf %add3A_62, %exp23A_60 : vector<800x128xf32>
    %slice3A_64 = vector.extract_strided_slice %dot_general3A_11 {offsets = [0, 1152], sizes = [800, 128], strides = [1, 1]} : vector<800x4096xf32> to vector<800x128xf32>
    %exp23A_65 = math.exp2 %slice3A_64 : vector<800x128xf32>
    %add3A_66 = arith.constant 1.000000e+00 : f32
    %add3A_67 = vector.broadcast %add3A_66 : f32 to vector<800x128xf32>
    %add3A_68 = arith.addf %add3A_67, %exp23A_65 : vector<800x128xf32>
    %mul3A_69 = arith.mulf %add3A_63, %add3A_68 : vector<800x128xf32>
    %slice3A_70 = vector.extract_strided_slice %dot_general3A_11 {offsets = [0, 1280], sizes = [800, 128], strides = [1, 1]} : vector<800x4096xf32> to vector<800x128xf32>
    %exp23A_71 = math.exp2 %slice3A_70 : vector<800x128xf32>
    %add3A_72 = arith.constant 1.000000e+00 : f32
    %add3A_73 = vector.broadcast %add3A_72 : f32 to vector<800x128xf32>
    %add3A_74 = arith.addf %add3A_73, %exp23A_71 : vector<800x128xf32>
    %mul3A_75 = arith.mulf %mul3A_69, %add3A_74 : vector<800x128xf32>
    %slice3A_76 = vector.extract_strided_slice %dot_general3A_11 {offsets = [0, 1408], sizes = [800, 128], strides = [1, 1]} : vector<800x4096xf32> to vector<800x128xf32>
    %exp23A_77 = math.exp2 %slice3A_76 : vector<800x128xf32>
    %add3A_78 = arith.constant 1.000000e+00 : f32
    %add3A_79 = vector.broadcast %add3A_78 : f32 to vector<800x128xf32>
    %add3A_80 = arith.addf %add3A_79, %exp23A_77 : vector<800x128xf32>
    %mul3A_81 = arith.mulf %mul3A_75, %add3A_80 : vector<800x128xf32>
    %slice3A_82 = vector.extract_strided_slice %dot_general3A_11 {offsets = [0, 1536], sizes = [800, 128], strides = [1, 1]} : vector<800x4096xf32> to vector<800x128xf32>
    %exp23A_83 = math.exp2 %slice3A_82 : vector<800x128xf32>
    %add3A_84 = arith.constant 1.000000e+00 : f32
    %add3A_85 = vector.broadcast %add3A_84 : f32 to vector<800x128xf32>
    %add3A_86 = arith.addf %add3A_85, %exp23A_83 : vector<800x128xf32>
    %mul3A_87 = arith.mulf %mul3A_81, %add3A_86 : vector<800x128xf32>
    %slice3A_88 = vector.extract_strided_slice %dot_general3A_11 {offsets = [0, 1664], sizes = [800, 128], strides = [1, 1]} : vector<800x4096xf32> to vector<800x128xf32>
    %exp23A_89 = math.exp2 %slice3A_88 : vector<800x128xf32>
    %add3A_90 = arith.constant 1.000000e+00 : f32
    %add3A_91 = vector.broadcast %add3A_90 : f32 to vector<800x128xf32>
    %add3A_92 = arith.addf %add3A_91, %exp23A_89 : vector<800x128xf32>
    %mul3A_93 = arith.mulf %mul3A_87, %add3A_92 : vector<800x128xf32>
    %slice3A_94 = vector.extract_strided_slice %dot_general3A_11 {offsets = [0, 1792], sizes = [800, 128], strides = [1, 1]} : vector<800x4096xf32> to vector<800x128xf32>
    %exp23A_95 = math.exp2 %slice3A_94 : vector<800x128xf32>
    %add3A_96 = arith.constant 1.000000e+00 : f32
    %add3A_97 = vector.broadcast %add3A_96 : f32 to vector<800x128xf32>
    %add3A_98 = arith.addf %add3A_97, %exp23A_95 : vector<800x128xf32>
    %mul3A_99 = arith.mulf %mul3A_93, %add3A_98 : vector<800x128xf32>
    %slice3A_100 = vector.extract_strided_slice %dot_general3A_11 {offsets = [0, 1920], sizes = [800, 128], strides = [1, 1]} : vector<800x4096xf32> to vector<800x128xf32>
    %exp23A_101 = math.exp2 %slice3A_100 : vector<800x128xf32>
    %add3A_102 = arith.constant 1.000000e+00 : f32
    %add3A_103 = vector.broadcast %add3A_102 : f32 to vector<800x128xf32>
    %add3A_104 = arith.addf %add3A_103, %exp23A_101 : vector<800x128xf32>
    %mul3A_105 = arith.mulf %mul3A_99, %add3A_104 : vector<800x128xf32>
    %log3A_106 = math.log %mul3A_105 : vector<800x128xf32>
    %log3A_107 = arith.constant 2.000000e+00 : f32
    %log3A_108 = math.log %log3A_107 : f32
    %div3A_109 = vector.broadcast %log3A_108 : f32 to vector<800x128xf32>
    %div3A_110 = arith.divf %log3A_106, %div3A_109 : vector<800x128xf32>
    %add3A_111 = arith.addf %div3A_58, %div3A_110 : vector<800x128xf32>
    %slice3A_112 = vector.extract_strided_slice %dot_general3A_11 {offsets = [0, 2048], sizes = [800, 128], strides = [1, 1]} : vector<800x4096xf32> to vector<800x128xf32>
    %exp23A_113 = math.exp2 %slice3A_112 : vector<800x128xf32>
    %add3A_114 = arith.constant 1.000000e+00 : f32
    %add3A_115 = vector.broadcast %add3A_114 : f32 to vector<800x128xf32>
    %add3A_116 = arith.addf %add3A_115, %exp23A_113 : vector<800x128xf32>
    %slice3A_117 = vector.extract_strided_slice %dot_general3A_11 {offsets = [0, 2176], sizes = [800, 128], strides = [1, 1]} : vector<800x4096xf32> to vector<800x128xf32>
    %exp23A_118 = math.exp2 %slice3A_117 : vector<800x128xf32>
    %add3A_119 = arith.constant 1.000000e+00 : f32
    %add3A_120 = vector.broadcast %add3A_119 : f32 to vector<800x128xf32>
    %add3A_121 = arith.addf %add3A_120, %exp23A_118 : vector<800x128xf32>
    %mul3A_122 = arith.mulf %add3A_116, %add3A_121 : vector<800x128xf32>
    %slice3A_123 = vector.extract_strided_slice %dot_general3A_11 {offsets = [0, 2304], sizes = [800, 128], strides = [1, 1]} : vector<800x4096xf32> to vector<800x128xf32>
    %exp23A_124 = math.exp2 %slice3A_123 : vector<800x128xf32>
    %add3A_125 = arith.constant 1.000000e+00 : f32
    %add3A_126 = vector.broadcast %add3A_125 : f32 to vector<800x128xf32>
    %add3A_127 = arith.addf %add3A_126, %exp23A_124 : vector<800x128xf32>
    %mul3A_128 = arith.mulf %mul3A_122, %add3A_127 : vector<800x128xf32>
    %slice3A_129 = vector.extract_strided_slice %dot_general3A_11 {offsets = [0, 2432], sizes = [800, 128], strides = [1, 1]} : vector<800x4096xf32> to vector<800x128xf32>
    %exp23A_130 = math.exp2 %slice3A_129 : vector<800x128xf32>
    %add3A_131 = arith.constant 1.000000e+00 : f32
    %add3A_132 = vector.broadcast %add3A_131 : f32 to vector<800x128xf32>
    %add3A_133 = arith.addf %add3A_132, %exp23A_130 : vector<800x128xf32>
    %mul3A_134 = arith.mulf %mul3A_128, %add3A_133 : vector<800x128xf32>
    %slice3A_135 = vector.extract_strided_slice %dot_general3A_11 {offsets = [0, 2560], sizes = [800, 128], strides = [1, 1]} : vector<800x4096xf32> to vector<800x128xf32>
    %exp23A_136 = math.exp2 %slice3A_135 : vector<800x128xf32>
    %add3A_137 = arith.constant 1.000000e+00 : f32
    %add3A_138 = vector.broadcast %add3A_137 : f32 to vector<800x128xf32>
    %add3A_139 = arith.addf %add3A_138, %exp23A_136 : vector<800x128xf32>
    %mul3A_140 = arith.mulf %mul3A_134, %add3A_139 : vector<800x128xf32>
    %slice3A_141 = vector.extract_strided_slice %dot_general3A_11 {offsets = [0, 2688], sizes = [800, 128], strides = [1, 1]} : vector<800x4096xf32> to vector<800x128xf32>
    %exp23A_142 = math.exp2 %slice3A_141 : vector<800x128xf32>
    %add3A_143 = arith.constant 1.000000e+00 : f32
    %add3A_144 = vector.broadcast %add3A_143 : f32 to vector<800x128xf32>
    %add3A_145 = arith.addf %add3A_144, %exp23A_142 : vector<800x128xf32>
    %mul3A_146 = arith.mulf %mul3A_140, %add3A_145 : vector<800x128xf32>
    %slice3A_147 = vector.extract_strided_slice %dot_general3A_11 {offsets = [0, 2816], sizes = [800, 128], strides = [1, 1]} : vector<800x4096xf32> to vector<800x128xf32>
    %exp23A_148 = math.exp2 %slice3A_147 : vector<800x128xf32>
    %add3A_149 = arith.constant 1.000000e+00 : f32
    %add3A_150 = vector.broadcast %add3A_149 : f32 to vector<800x128xf32>
    %add3A_151 = arith.addf %add3A_150, %exp23A_148 : vector<800x128xf32>
    %mul3A_152 = arith.mulf %mul3A_146, %add3A_151 : vector<800x128xf32>
    %slice3A_153 = vector.extract_strided_slice %dot_general3A_11 {offsets = [0, 2944], sizes = [800, 128], strides = [1, 1]} : vector<800x4096xf32> to vector<800x128xf32>
    %exp23A_154 = math.exp2 %slice3A_153 : vector<800x128xf32>
    %add3A_155 = arith.constant 1.000000e+00 : f32
    %add3A_156 = vector.broadcast %add3A_155 : f32 to vector<800x128xf32>
    %add3A_157 = arith.addf %add3A_156, %exp23A_154 : vector<800x128xf32>
    %mul3A_158 = arith.mulf %mul3A_152, %add3A_157 : vector<800x128xf32>
    %log3A_159 = math.log %mul3A_158 : vector<800x128xf32>
    %log3A_160 = arith.constant 2.000000e+00 : f32
    %log3A_161 = math.log %log3A_160 : f32
    %div3A_162 = vector.broadcast %log3A_161 : f32 to vector<800x128xf32>
    %div3A_163 = arith.divf %log3A_159, %div3A_162 : vector<800x128xf32>
    %add3A_164 = arith.addf %add3A_111, %div3A_163 : vector<800x128xf32>
    %slice3A_165 = vector.extract_strided_slice %dot_general3A_11 {offsets = [0, 3072], sizes = [800, 128], strides = [1, 1]} : vector<800x4096xf32> to vector<800x128xf32>
    %exp23A_166 = math.exp2 %slice3A_165 : vector<800x128xf32>
    %add3A_167 = arith.constant 1.000000e+00 : f32
    %add3A_168 = vector.broadcast %add3A_167 : f32 to vector<800x128xf32>
    %add3A_169 = arith.addf %add3A_168, %exp23A_166 : vector<800x128xf32>
    %slice3A_170 = vector.extract_strided_slice %dot_general3A_11 {offsets = [0, 3200], sizes = [800, 128], strides = [1, 1]} : vector<800x4096xf32> to vector<800x128xf32>
    %exp23A_171 = math.exp2 %slice3A_170 : vector<800x128xf32>
    %add3A_172 = arith.constant 1.000000e+00 : f32
    %add3A_173 = vector.broadcast %add3A_172 : f32 to vector<800x128xf32>
    %add3A_174 = arith.addf %add3A_173, %exp23A_171 : vector<800x128xf32>
    %mul3A_175 = arith.mulf %add3A_169, %add3A_174 : vector<800x128xf32>
    %slice3A_176 = vector.extract_strided_slice %dot_general3A_11 {offsets = [0, 3328], sizes = [800, 128], strides = [1, 1]} : vector<800x4096xf32> to vector<800x128xf32>
    %exp23A_177 = math.exp2 %slice3A_176 : vector<800x128xf32>
    %add3A_178 = arith.constant 1.000000e+00 : f32
    %add3A_179 = vector.broadcast %add3A_178 : f32 to vector<800x128xf32>
    %add3A_180 = arith.addf %add3A_179, %exp23A_177 : vector<800x128xf32>
    %mul3A_181 = arith.mulf %mul3A_175, %add3A_180 : vector<800x128xf32>
    %slice3A_182 = vector.extract_strided_slice %dot_general3A_11 {offsets = [0, 3456], sizes = [800, 128], strides = [1, 1]} : vector<800x4096xf32> to vector<800x128xf32>
    %exp23A_183 = math.exp2 %slice3A_182 : vector<800x128xf32>
    %add3A_184 = arith.constant 1.000000e+00 : f32
    %add3A_185 = vector.broadcast %add3A_184 : f32 to vector<800x128xf32>
    %add3A_186 = arith.addf %add3A_185, %exp23A_183 : vector<800x128xf32>
    %mul3A_187 = arith.mulf %mul3A_181, %add3A_186 : vector<800x128xf32>
    %slice3A_188 = vector.extract_strided_slice %dot_general3A_11 {offsets = [0, 3584], sizes = [800, 128], strides = [1, 1]} : vector<800x4096xf32> to vector<800x128xf32>
    %exp23A_189 = math.exp2 %slice3A_188 : vector<800x128xf32>
    %add3A_190 = arith.constant 1.000000e+00 : f32
    %add3A_191 = vector.broadcast %add3A_190 : f32 to vector<800x128xf32>
    %add3A_192 = arith.addf %add3A_191, %exp23A_189 : vector<800x128xf32>
    %mul3A_193 = arith.mulf %mul3A_187, %add3A_192 : vector<800x128xf32>
    %slice3A_194 = vector.extract_strided_slice %dot_general3A_11 {offsets = [0, 3712], sizes = [800, 128], strides = [1, 1]} : vector<800x4096xf32> to vector<800x128xf32>
    %exp23A_195 = math.exp2 %slice3A_194 : vector<800x128xf32>
    %add3A_196 = arith.constant 1.000000e+00 : f32
    %add3A_197 = vector.broadcast %add3A_196 : f32 to vector<800x128xf32>
    %add3A_198 = arith.addf %add3A_197, %exp23A_195 : vector<800x128xf32>
    %mul3A_199 = arith.mulf %mul3A_193, %add3A_198 : vector<800x128xf32>
    %slice3A_200 = vector.extract_strided_slice %dot_general3A_11 {offsets = [0, 3840], sizes = [800, 128], strides = [1, 1]} : vector<800x4096xf32> to vector<800x128xf32>
    %exp23A_201 = math.exp2 %slice3A_200 : vector<800x128xf32>
    %add3A_202 = arith.constant 1.000000e+00 : f32
    %add3A_203 = vector.broadcast %add3A_202 : f32 to vector<800x128xf32>
    %add3A_204 = arith.addf %add3A_203, %exp23A_201 : vector<800x128xf32>
    %mul3A_205 = arith.mulf %mul3A_199, %add3A_204 : vector<800x128xf32>
    %slice3A_206 = vector.extract_strided_slice %dot_general3A_11 {offsets = [0, 3968], sizes = [800, 128], strides = [1, 1]} : vector<800x4096xf32> to vector<800x128xf32>
    %exp23A_207 = math.exp2 %slice3A_206 : vector<800x128xf32>
    %add3A_208 = arith.constant 1.000000e+00 : f32
    %add3A_209 = vector.broadcast %add3A_208 : f32 to vector<800x128xf32>
    %add3A_210 = arith.addf %add3A_209, %exp23A_207 : vector<800x128xf32>
    %mul3A_211 = arith.mulf %mul3A_205, %add3A_210 : vector<800x128xf32>
    %log3A_212 = math.log %mul3A_211 : vector<800x128xf32>
    %log3A_213 = arith.constant 2.000000e+00 : f32
    %log3A_214 = math.log %log3A_213 : f32
    %div3A_215 = vector.broadcast %log3A_214 : f32 to vector<800x128xf32>
    %div3A_216 = arith.divf %log3A_212, %div3A_215 : vector<800x128xf32>
    %add3A_217 = arith.addf %add3A_164, %div3A_216 : vector<800x128xf32>
    %eq3A = arith.constant 0 : i32
    %eq3A_218 = arith.cmpi eq, %arg0, %eq3A : i32
    %convert_element_type3A = arith.extui %eq3A_218 : i1 to i32
    %cond3A = arith.constant 0 : i32
    %cond3A_219 = arith.cmpi ne, %convert_element_type3A, %cond3A : i32
    scf.if %cond3A_219 {
      %broadcast_in_dim3A_231 = arith.constant 0.000000e+00 : f32
      %broadcast_in_dim3A_232 = vector.broadcast %broadcast_in_dim3A_231 : f32 to vector<1x1xf32>
      %swap3A_233 = arith.constant 0 : index
      %swap3A_234 = arith.constant 0 : index
      %swap3A_235 = vector.load %arg6[%swap3A_233, %swap3A_234] : memref<1x1xf32, #tpu.memory_space<vmem>>, vector<1x1xf32>
      tpu.vector_store %arg6[%swap3A_233, %swap3A_234], %broadcast_in_dim3A_232 {strides = array<i32>} : memref<1x1xf32, #tpu.memory_space<vmem>>, vector<1x1xf32>,
      %broadcast_in_dim3A_236 = arith.constant 0.000000e+00 : f32
      %broadcast_in_dim3A_237 = vector.broadcast %broadcast_in_dim3A_236 : f32 to vector<800x128xf32>
      %swap3A_238 = arith.constant 0 : index
      %swap3A_239 = arith.constant 0 : index
      %swap3A_240 = vector.load %arg7[%swap3A_238, %swap3A_239] : memref<800x128xf32, #tpu.memory_space<vmem>>, vector<800x128xf32>
      tpu.vector_store %arg7[%swap3A_238, %swap3A_239], %broadcast_in_dim3A_237 {strides = array<i32>} : memref<800x128xf32, #tpu.memory_space<vmem>>, vector<800x128xf32>,
    } else {
    }
    %get3A_220 = arith.constant 0 : index
    %get3A_221 = arith.constant 0 : index
    %get3A_222 = vector.load %arg7[%get3A_220, %get3A_221] : memref<800x128xf32, #tpu.memory_space<vmem>>, vector<800x128xf32>
    %add3A_223 = arith.addf %get3A_222, %add3A_217 : vector<800x128xf32>
    %swap3A = arith.constant 0 : index
    %swap3A_224 = arith.constant 0 : index
    %swap3A_225 = vector.load %arg7[%swap3A, %swap3A_224] : memref<800x128xf32, #tpu.memory_space<vmem>>, vector<800x128xf32>
    tpu.vector_store %arg7[%swap3A, %swap3A_224], %add3A_223 {strides = array<i32>} : memref<800x128xf32, #tpu.memory_space<vmem>>, vector<800x128xf32>,
    %eq3A_226 = arith.constant 24 : i32
    %eq3A_227 = arith.cmpi eq, %arg0, %eq3A_226 : i32
    %convert_element_type3A_228 = arith.extui %eq3A_227 : i1 to i32
    %cond3A_229 = arith.constant 0 : i32
    %cond3A_230 = arith.cmpi ne, %convert_element_type3A_228, %cond3A_229 : i32
    scf.if %cond3A_230 {
      %get3A_231 = arith.constant 0 : index
      %get3A_232 = arith.constant 0 : index
      %get3A_233 = vector.load %arg7[%get3A_231, %get3A_232] : memref<800x128xf32, #tpu.memory_space<vmem>>, vector<800x128xf32>
      %reduce_sum3A = arith.constant dense<0.000000e+00> : vector<800xf32>
      %reduce_sum3A_234 = vector.multi_reduction <add>, %get3A_233, %reduce_sum3A [1] : vector<800x128xf32> to vector<800xf32>
      %broadcast_in_dim3A_235 = vector.shape_cast %reduce_sum3A_234 : vector<800xf32> to vector<800x1xf32>
      %mul3A_236 = arith.constant 0.693147182 : f32
      %mul3A_237 = vector.broadcast %mul3A_236 : f32 to vector<800x1xf32>
      %mul3A_238 = arith.mulf %mul3A_237, %broadcast_in_dim3A_235 : vector<800x1xf32>
      %get3A_239 = arith.constant 0 : index
      %get3A_240 = arith.constant 0 : index
      %get3A_241 = vector.load %arg4[%get3A_239, %get3A_240] : memref<800x4xf32, #tpu.memory_space<vmem>>, vector<800x4xf32>
      %reduce_sum3A_242 = arith.constant dense<0.000000e+00> : vector<800xf32>
      %reduce_sum3A_243 = vector.multi_reduction <add>, %get3A_241, %reduce_sum3A_242 [1] : vector<800x4xf32> to vector<800xf32>
      %broadcast_in_dim3A_244 = vector.shape_cast %reduce_sum3A_243 : vector<800xf32> to vector<800x1xf32>
      %gt3A = arith.constant 0.000000e+00 : f32
      %gt3A_245 = vector.broadcast %gt3A : f32 to vector<800x1xf32>
      %gt3A_246 = arith.cmpf ogt, %broadcast_in_dim3A_244, %gt3A_245 : vector<800x1xf32>
      %convert_element_type3A_247 = arith.extui %gt3A_246 : vector<800x1xi1> to vector<800x1xi32>
      %convert_element_type3A_248 = arith.sitofp %convert_element_type3A_247 : vector<800x1xi32> to vector<800x1xf32>
      %mul3A_249 = arith.mulf %mul3A_238, %convert_element_type3A_248 : vector<800x1xf32>
      %reduce_sum3A_250 = vector.shape_cast %mul3A_249 : vector<800x1xf32> to vector<1x800x1xf32>
      %reduce_sum3A_251 = arith.constant dense<0.000000e+00> : vector<1xf32>
      %reduce_sum3A_252 = vector.multi_reduction <add>, %reduce_sum3A_250, %reduce_sum3A_251 [1, 2] : vector<1x800x1xf32> to vector<1xf32>
      %reduce_sum3A_253 = vector.shape_cast %reduce_sum3A_252 : vector<1xf32> to vector<1x1x1xf32>
      %reduce_sum3A_254 = vector.extract %reduce_sum3A_253[0, 0, 0] : f32 from vector<1x1x1xf32>
      %get3A_255 = arith.constant 0 : index
      %get3A_256 = arith.constant 0 : index
      %get3A_257 = vector.load %arg5[%get3A_255, %get3A_256] : memref<3200x128xf32, #tpu.memory_space<vmem>>, vector<3200x128xf32>
      %get3A_258 = arith.constant 0 : index
      %get3A_259 = arith.constant 0 : index
      %get3A_260 = vector.load %arg3[%get3A_258, %get3A_259] : memref<800x4xi32, #tpu.memory_space<vmem>>, vector<800x4xi32>
      %slice3A_261 = vector.extract_strided_slice %get3A_257 {offsets = [0, 0], sizes = [800, 128], strides = [1, 1]} : vector<3200x128xf32> to vector<800x128xf32>
      %slice3A_262 = vector.extract_strided_slice %slice3A_261 {offsets = [0, 0], sizes = [800, 64], strides = [1, 1]} : vector<800x128xf32> to vector<800x64xf32>
      %mul3A_263 = arith.mulf %slice3A_262, %get3A_1 : vector<800x64xf32>
      %reduce_sum3A_264 = arith.constant dense<0.000000e+00> : vector<800xf32>
      %reduce_sum3A_265 = vector.multi_reduction <add>, %mul3A_263, %reduce_sum3A_264 [1] : vector<800x64xf32> to vector<800xf32>
      %broadcast_in_dim3A_266 = vector.shape_cast %reduce_sum3A_265 : vector<800xf32> to vector<800x1xf32>
      %slice3A_267 = vector.extract_strided_slice %slice3A_261 {offsets = [0, 64], sizes = [800, 64], strides = [1, 1]} : vector<800x128xf32> to vector<800x64xf32>
      %mul3A_268 = arith.mulf %slice3A_267, %get3A_1 : vector<800x64xf32>
      %reduce_sum3A_269 = arith.constant dense<0.000000e+00> : vector<800xf32>
      %reduce_sum3A_270 = vector.multi_reduction <add>, %mul3A_268, %reduce_sum3A_269 [1] : vector<800x64xf32> to vector<800xf32>
      %broadcast_in_dim3A_271 = vector.shape_cast %reduce_sum3A_270 : vector<800xf32> to vector<800x1xf32>
      %slice3A_272 = vector.extract_strided_slice %get3A_260 {offsets = [0, 0], sizes = [800, 1], strides = [1, 1]} : vector<800x4xi32> to vector<800x1xi32>
      %jit3A_273 = arith.constant 2 : i32
      %eq3A_274 = arith.constant 0 : i32
      %eq3A_275 = arith.cmpi eq, %jit3A_273, %eq3A_274 : i32
      %jit3A_276 = arith.constant 1 : i32
      %select_n3A_277 = arith.select %eq3A_275, %jit3A_276, %jit3A_273 : i32
      %rem3A = vector.broadcast %select_n3A_277 : i32 to vector<800x1xi32>
      %rem3A_278 = arith.remsi %slice3A_272, %rem3A : vector<800x1xi32>
      %ne3A = arith.constant 0 : i32
      %ne3A_279 = vector.broadcast %ne3A : i32 to vector<800x1xi32>
      %ne3A_280 = arith.cmpi ne, %rem3A_278, %ne3A_279 : vector<800x1xi32>
      %lt3A_281 = arith.constant 0 : i32
      %lt3A_282 = vector.broadcast %lt3A_281 : i32 to vector<800x1xi32>
      %lt3A_283 = arith.cmpi slt, %rem3A_278, %lt3A_282 : vector<800x1xi32>
      %lt3A_284 = arith.constant 0 : i32
      %lt3A_285 = arith.cmpi slt, %select_n3A_277, %lt3A_284 : i32
      %ne3A_286 = vector.broadcast %lt3A_285 : i1 to vector<800x1xi1>
      %ne3A_287 = vector.broadcast %ne3A_286 : vector<800x1xi1> to vector<800x1xi1>
      %ne3A_288 = arith.xori %lt3A_283, %ne3A_287 : vector<800x1xi1>
      %and3A = arith.andi %ne3A_288, %ne3A_280 : vector<800x1xi1>
      %add3A_289 = vector.broadcast %select_n3A_277 : i32 to vector<800x1xi32>
      %add3A_290 = arith.addi %rem3A_278, %add3A_289 : vector<800x1xi32>
      %select_n3A_291 = arith.select %and3A, %add3A_290, %rem3A_278 : vector<800x1xi1>, vector<800x1xi32>
      %eq3A_292 = arith.constant 1 : i32
      %eq3A_293 = vector.broadcast %eq3A_292 : i32 to vector<800x1xi32>
      %eq3A_294 = arith.cmpi eq, %select_n3A_291, %eq3A_293 : vector<800x1xi32>
      %select_n3A_295 = arith.select %eq3A_294, %broadcast_in_dim3A_271, %broadcast_in_dim3A_266 : vector<800x1xi1>, vector<800x1xf32>
      %mul3A_296 = arith.mulf %select_n3A_295, %convert_element_type3A_248 : vector<800x1xf32>
      %reduce_sum3A_297 = vector.shape_cast %mul3A_296 : vector<800x1xf32> to vector<1x800x1xf32>
      %reduce_sum3A_298 = arith.constant dense<0.000000e+00> : vector<1xf32>
      %reduce_sum3A_299 = vector.multi_reduction <add>, %reduce_sum3A_297, %reduce_sum3A_298 [1, 2] : vector<1x800x1xf32> to vector<1xf32>
      %reduce_sum3A_300 = vector.shape_cast %reduce_sum3A_299 : vector<1xf32> to vector<1x1x1xf32>
      %reduce_sum3A_301 = vector.extract %reduce_sum3A_300[0, 0, 0] : f32 from vector<1x1x1xf32>
      %add3A_302 = arith.constant 0.000000e+00 : f32
      %add3A_303 = arith.addf %add3A_302, %reduce_sum3A_301 : f32
      %slice3A_304 = vector.extract_strided_slice %get3A_257 {offsets = [800, 0], sizes = [800, 128], strides = [1, 1]} : vector<3200x128xf32> to vector<800x128xf32>
      %slice3A_305 = vector.extract_strided_slice %slice3A_304 {offsets = [0, 0], sizes = [800, 64], strides = [1, 1]} : vector<800x128xf32> to vector<800x64xf32>
      %mul3A_306 = arith.mulf %slice3A_305, %get3A_1 : vector<800x64xf32>
      %reduce_sum3A_307 = arith.constant dense<0.000000e+00> : vector<800xf32>
      %reduce_sum3A_308 = vector.multi_reduction <add>, %mul3A_306, %reduce_sum3A_307 [1] : vector<800x64xf32> to vector<800xf32>
      %broadcast_in_dim3A_309 = vector.shape_cast %reduce_sum3A_308 : vector<800xf32> to vector<800x1xf32>
      %slice3A_310 = vector.extract_strided_slice %slice3A_304 {offsets = [0, 64], sizes = [800, 64], strides = [1, 1]} : vector<800x128xf32> to vector<800x64xf32>
      %mul3A_311 = arith.mulf %slice3A_310, %get3A_1 : vector<800x64xf32>
      %reduce_sum3A_312 = arith.constant dense<0.000000e+00> : vector<800xf32>
      %reduce_sum3A_313 = vector.multi_reduction <add>, %mul3A_311, %reduce_sum3A_312 [1] : vector<800x64xf32> to vector<800xf32>
      %broadcast_in_dim3A_314 = vector.shape_cast %reduce_sum3A_313 : vector<800xf32> to vector<800x1xf32>
      %slice3A_315 = vector.extract_strided_slice %get3A_260 {offsets = [0, 1], sizes = [800, 1], strides = [1, 1]} : vector<800x4xi32> to vector<800x1xi32>
      %jit3A_316 = arith.constant 2 : i32
      %eq3A_317 = arith.constant 0 : i32
      %eq3A_318 = arith.cmpi eq, %jit3A_316, %eq3A_317 : i32
      %jit3A_319 = arith.constant 1 : i32
      %select_n3A_320 = arith.select %eq3A_318, %jit3A_319, %jit3A_316 : i32
      %rem3A_321 = vector.broadcast %select_n3A_320 : i32 to vector<800x1xi32>
      %rem3A_322 = arith.remsi %slice3A_315, %rem3A_321 : vector<800x1xi32>
      %ne3A_323 = arith.constant 0 : i32
      %ne3A_324 = vector.broadcast %ne3A_323 : i32 to vector<800x1xi32>
      %ne3A_325 = arith.cmpi ne, %rem3A_322, %ne3A_324 : vector<800x1xi32>
      %lt3A_326 = arith.constant 0 : i32
      %lt3A_327 = vector.broadcast %lt3A_326 : i32 to vector<800x1xi32>
      %lt3A_328 = arith.cmpi slt, %rem3A_322, %lt3A_327 : vector<800x1xi32>
      %lt3A_329 = arith.constant 0 : i32
      %lt3A_330 = arith.cmpi slt, %select_n3A_320, %lt3A_329 : i32
      %ne3A_331 = vector.broadcast %lt3A_330 : i1 to vector<800x1xi1>
      %ne3A_332 = vector.broadcast %ne3A_331 : vector<800x1xi1> to vector<800x1xi1>
      %ne3A_333 = arith.xori %lt3A_328, %ne3A_332 : vector<800x1xi1>
      %and3A_334 = arith.andi %ne3A_333, %ne3A_325 : vector<800x1xi1>
      %add3A_335 = vector.broadcast %select_n3A_320 : i32 to vector<800x1xi32>
      %add3A_336 = arith.addi %rem3A_322, %add3A_335 : vector<800x1xi32>
      %select_n3A_337 = arith.select %and3A_334, %add3A_336, %rem3A_322 : vector<800x1xi1>, vector<800x1xi32>
      %eq3A_338 = arith.constant 1 : i32
      %eq3A_339 = vector.broadcast %eq3A_338 : i32 to vector<800x1xi32>
      %eq3A_340 = arith.cmpi eq, %select_n3A_337, %eq3A_339 : vector<800x1xi32>
      %select_n3A_341 = arith.select %eq3A_340, %broadcast_in_dim3A_314, %broadcast_in_dim3A_309 : vector<800x1xi1>, vector<800x1xf32>
      %slice3A_342 = vector.extract_strided_slice %get3A_260 {offsets = [0, 1], sizes = [800, 1], strides = [1, 1]} : vector<800x4xi32> to vector<800x1xi32>
      %slice3A_343 = vector.extract_strided_slice %get3A_260 {offsets = [0, 0], sizes = [800, 1], strides = [1, 1]} : vector<800x4xi32> to vector<800x1xi32>
      %ne3A_344 = arith.cmpi ne, %slice3A_342, %slice3A_343 : vector<800x1xi32>
      %convert_element_type3A_345 = arith.extui %ne3A_344 : vector<800x1xi1> to vector<800x1xi32>
      %convert_element_type3A_346 = arith.sitofp %convert_element_type3A_345 : vector<800x1xi32> to vector<800x1xf32>
      %mul3A_347 = arith.mulf %convert_element_type3A_248, %convert_element_type3A_346 : vector<800x1xf32>
      %mul3A_348 = arith.mulf %select_n3A_341, %mul3A_347 : vector<800x1xf32>
      %reduce_sum3A_349 = vector.shape_cast %mul3A_348 : vector<800x1xf32> to vector<1x800x1xf32>
      %reduce_sum3A_350 = arith.constant dense<0.000000e+00> : vector<1xf32>
      %reduce_sum3A_351 = vector.multi_reduction <add>, %reduce_sum3A_349, %reduce_sum3A_350 [1, 2] : vector<1x800x1xf32> to vector<1xf32>
      %reduce_sum3A_352 = vector.shape_cast %reduce_sum3A_351 : vector<1xf32> to vector<1x1x1xf32>
      %reduce_sum3A_353 = vector.extract %reduce_sum3A_352[0, 0, 0] : f32 from vector<1x1x1xf32>
      %add3A_354 = arith.addf %add3A_303, %reduce_sum3A_353 : f32
      %slice3A_355 = vector.extract_strided_slice %get3A_257 {offsets = [1600, 0], sizes = [800, 128], strides = [1, 1]} : vector<3200x128xf32> to vector<800x128xf32>
      %slice3A_356 = vector.extract_strided_slice %slice3A_355 {offsets = [0, 0], sizes = [800, 64], strides = [1, 1]} : vector<800x128xf32> to vector<800x64xf32>
      %mul3A_357 = arith.mulf %slice3A_356, %get3A_1 : vector<800x64xf32>
      %reduce_sum3A_358 = arith.constant dense<0.000000e+00> : vector<800xf32>
      %reduce_sum3A_359 = vector.multi_reduction <add>, %mul3A_357, %reduce_sum3A_358 [1] : vector<800x64xf32> to vector<800xf32>
      %broadcast_in_dim3A_360 = vector.shape_cast %reduce_sum3A_359 : vector<800xf32> to vector<800x1xf32>
      %slice3A_361 = vector.extract_strided_slice %slice3A_355 {offsets = [0, 64], sizes = [800, 64], strides = [1, 1]} : vector<800x128xf32> to vector<800x64xf32>
      %mul3A_362 = arith.mulf %slice3A_361, %get3A_1 : vector<800x64xf32>
      %reduce_sum3A_363 = arith.constant dense<0.000000e+00> : vector<800xf32>
      %reduce_sum3A_364 = vector.multi_reduction <add>, %mul3A_362, %reduce_sum3A_363 [1] : vector<800x64xf32> to vector<800xf32>
      %broadcast_in_dim3A_365 = vector.shape_cast %reduce_sum3A_364 : vector<800xf32> to vector<800x1xf32>
      %slice3A_366 = vector.extract_strided_slice %get3A_260 {offsets = [0, 2], sizes = [800, 1], strides = [1, 1]} : vector<800x4xi32> to vector<800x1xi32>
      %jit3A_367 = arith.constant 2 : i32
      %eq3A_368 = arith.constant 0 : i32
      %eq3A_369 = arith.cmpi eq, %jit3A_367, %eq3A_368 : i32
      %jit3A_370 = arith.constant 1 : i32
      %select_n3A_371 = arith.select %eq3A_369, %jit3A_370, %jit3A_367 : i32
      %rem3A_372 = vector.broadcast %select_n3A_371 : i32 to vector<800x1xi32>
      %rem3A_373 = arith.remsi %slice3A_366, %rem3A_372 : vector<800x1xi32>
      %ne3A_374 = arith.constant 0 : i32
      %ne3A_375 = vector.broadcast %ne3A_374 : i32 to vector<800x1xi32>
      %ne3A_376 = arith.cmpi ne, %rem3A_373, %ne3A_375 : vector<800x1xi32>
      %lt3A_377 = arith.constant 0 : i32
      %lt3A_378 = vector.broadcast %lt3A_377 : i32 to vector<800x1xi32>
      %lt3A_379 = arith.cmpi slt, %rem3A_373, %lt3A_378 : vector<800x1xi32>
      %lt3A_380 = arith.constant 0 : i32
      %lt3A_381 = arith.cmpi slt, %select_n3A_371, %lt3A_380 : i32
      %ne3A_382 = vector.broadcast %lt3A_381 : i1 to vector<800x1xi1>
      %ne3A_383 = vector.broadcast %ne3A_382 : vector<800x1xi1> to vector<800x1xi1>
      %ne3A_384 = arith.xori %lt3A_379, %ne3A_383 : vector<800x1xi1>
      %and3A_385 = arith.andi %ne3A_384, %ne3A_376 : vector<800x1xi1>
      %add3A_386 = vector.broadcast %select_n3A_371 : i32 to vector<800x1xi32>
      %add3A_387 = arith.addi %rem3A_373, %add3A_386 : vector<800x1xi32>
      %select_n3A_388 = arith.select %and3A_385, %add3A_387, %rem3A_373 : vector<800x1xi1>, vector<800x1xi32>
      %eq3A_389 = arith.constant 1 : i32
      %eq3A_390 = vector.broadcast %eq3A_389 : i32 to vector<800x1xi32>
      %eq3A_391 = arith.cmpi eq, %select_n3A_388, %eq3A_390 : vector<800x1xi32>
      %select_n3A_392 = arith.select %eq3A_391, %broadcast_in_dim3A_365, %broadcast_in_dim3A_360 : vector<800x1xi1>, vector<800x1xf32>
      %slice3A_393 = vector.extract_strided_slice %get3A_260 {offsets = [0, 2], sizes = [800, 1], strides = [1, 1]} : vector<800x4xi32> to vector<800x1xi32>
      %slice3A_394 = vector.extract_strided_slice %get3A_260 {offsets = [0, 0], sizes = [800, 1], strides = [1, 1]} : vector<800x4xi32> to vector<800x1xi32>
      %ne3A_395 = arith.cmpi ne, %slice3A_393, %slice3A_394 : vector<800x1xi32>
      %convert_element_type3A_396 = arith.extui %ne3A_395 : vector<800x1xi1> to vector<800x1xi32>
      %convert_element_type3A_397 = arith.sitofp %convert_element_type3A_396 : vector<800x1xi32> to vector<800x1xf32>
      %mul3A_398 = arith.mulf %convert_element_type3A_248, %convert_element_type3A_397 : vector<800x1xf32>
      %slice3A_399 = vector.extract_strided_slice %get3A_260 {offsets = [0, 2], sizes = [800, 1], strides = [1, 1]} : vector<800x4xi32> to vector<800x1xi32>
      %slice3A_400 = vector.extract_strided_slice %get3A_260 {offsets = [0, 1], sizes = [800, 1], strides = [1, 1]} : vector<800x4xi32> to vector<800x1xi32>
      %ne3A_401 = arith.cmpi ne, %slice3A_399, %slice3A_400 : vector<800x1xi32>
      %convert_element_type3A_402 = arith.extui %ne3A_401 : vector<800x1xi1> to vector<800x1xi32>
      %convert_element_type3A_403 = arith.sitofp %convert_element_type3A_402 : vector<800x1xi32> to vector<800x1xf32>
      %mul3A_404 = arith.mulf %mul3A_398, %convert_element_type3A_403 : vector<800x1xf32>
      %mul3A_405 = arith.mulf %select_n3A_392, %mul3A_404 : vector<800x1xf32>
      %reduce_sum3A_406 = vector.shape_cast %mul3A_405 : vector<800x1xf32> to vector<1x800x1xf32>
      %reduce_sum3A_407 = arith.constant dense<0.000000e+00> : vector<1xf32>
      %reduce_sum3A_408 = vector.multi_reduction <add>, %reduce_sum3A_406, %reduce_sum3A_407 [1, 2] : vector<1x800x1xf32> to vector<1xf32>
      %reduce_sum3A_409 = vector.shape_cast %reduce_sum3A_408 : vector<1xf32> to vector<1x1x1xf32>
      %reduce_sum3A_410 = vector.extract %reduce_sum3A_409[0, 0, 0] : f32 from vector<1x1x1xf32>
      %add3A_411 = arith.addf %add3A_354, %reduce_sum3A_410 : f32
      %slice3A_412 = vector.extract_strided_slice %get3A_257 {offsets = [2400, 0], sizes = [800, 128], strides = [1, 1]} : vector<3200x128xf32> to vector<800x128xf32>
      %slice3A_413 = vector.extract_strided_slice %slice3A_412 {offsets = [0, 0], sizes = [800, 64], strides = [1, 1]} : vector<800x128xf32> to vector<800x64xf32>
      %mul3A_414 = arith.mulf %slice3A_413, %get3A_1 : vector<800x64xf32>
      %reduce_sum3A_415 = arith.constant dense<0.000000e+00> : vector<800xf32>
      %reduce_sum3A_416 = vector.multi_reduction <add>, %mul3A_414, %reduce_sum3A_415 [1] : vector<800x64xf32> to vector<800xf32>
      %broadcast_in_dim3A_417 = vector.shape_cast %reduce_sum3A_416 : vector<800xf32> to vector<800x1xf32>
      %slice3A_418 = vector.extract_strided_slice %slice3A_412 {offsets = [0, 64], sizes = [800, 64], strides = [1, 1]} : vector<800x128xf32> to vector<800x64xf32>
      %mul3A_419 = arith.mulf %slice3A_418, %get3A_1 : vector<800x64xf32>
      %reduce_sum3A_420 = arith.constant dense<0.000000e+00> : vector<800xf32>
      %reduce_sum3A_421 = vector.multi_reduction <add>, %mul3A_419, %reduce_sum3A_420 [1] : vector<800x64xf32> to vector<800xf32>
      %broadcast_in_dim3A_422 = vector.shape_cast %reduce_sum3A_421 : vector<800xf32> to vector<800x1xf32>
      %slice3A_423 = vector.extract_strided_slice %get3A_260 {offsets = [0, 3], sizes = [800, 1], strides = [1, 1]} : vector<800x4xi32> to vector<800x1xi32>
      %jit3A_424 = arith.constant 2 : i32
      %eq3A_425 = arith.constant 0 : i32
      %eq3A_426 = arith.cmpi eq, %jit3A_424, %eq3A_425 : i32
      %jit3A_427 = arith.constant 1 : i32
      %select_n3A_428 = arith.select %eq3A_426, %jit3A_427, %jit3A_424 : i32
      %rem3A_429 = vector.broadcast %select_n3A_428 : i32 to vector<800x1xi32>
      %rem3A_430 = arith.remsi %slice3A_423, %rem3A_429 : vector<800x1xi32>
      %ne3A_431 = arith.constant 0 : i32
      %ne3A_432 = vector.broadcast %ne3A_431 : i32 to vector<800x1xi32>
      %ne3A_433 = arith.cmpi ne, %rem3A_430, %ne3A_432 : vector<800x1xi32>
      %lt3A_434 = arith.constant 0 : i32
      %lt3A_435 = vector.broadcast %lt3A_434 : i32 to vector<800x1xi32>
      %lt3A_436 = arith.cmpi slt, %rem3A_430, %lt3A_435 : vector<800x1xi32>
      %lt3A_437 = arith.constant 0 : i32
      %lt3A_438 = arith.cmpi slt, %select_n3A_428, %lt3A_437 : i32
      %ne3A_439 = vector.broadcast %lt3A_438 : i1 to vector<800x1xi1>
      %ne3A_440 = vector.broadcast %ne3A_439 : vector<800x1xi1> to vector<800x1xi1>
      %ne3A_441 = arith.xori %lt3A_436, %ne3A_440 : vector<800x1xi1>
      %and3A_442 = arith.andi %ne3A_441, %ne3A_433 : vector<800x1xi1>
      %add3A_443 = vector.broadcast %select_n3A_428 : i32 to vector<800x1xi32>
      %add3A_444 = arith.addi %rem3A_430, %add3A_443 : vector<800x1xi32>
      %select_n3A_445 = arith.select %and3A_442, %add3A_444, %rem3A_430 : vector<800x1xi1>, vector<800x1xi32>
      %eq3A_446 = arith.constant 1 : i32
      %eq3A_447 = vector.broadcast %eq3A_446 : i32 to vector<800x1xi32>
      %eq3A_448 = arith.cmpi eq, %select_n3A_445, %eq3A_447 : vector<800x1xi32>
      %select_n3A_449 = arith.select %eq3A_448, %broadcast_in_dim3A_422, %broadcast_in_dim3A_417 : vector<800x1xi1>, vector<800x1xf32>
      %slice3A_450 = vector.extract_strided_slice %get3A_260 {offsets = [0, 3], sizes = [800, 1], strides = [1, 1]} : vector<800x4xi32> to vector<800x1xi32>
      %slice3A_451 = vector.extract_strided_slice %get3A_260 {offsets = [0, 0], sizes = [800, 1], strides = [1, 1]} : vector<800x4xi32> to vector<800x1xi32>
      %ne3A_452 = arith.cmpi ne, %slice3A_450, %slice3A_451 : vector<800x1xi32>
      %convert_element_type3A_453 = arith.extui %ne3A_452 : vector<800x1xi1> to vector<800x1xi32>
      %convert_element_type3A_454 = arith.sitofp %convert_element_type3A_453 : vector<800x1xi32> to vector<800x1xf32>
      %mul3A_455 = arith.mulf %convert_element_type3A_248, %convert_element_type3A_454 : vector<800x1xf32>
      %slice3A_456 = vector.extract_strided_slice %get3A_260 {offsets = [0, 3], sizes = [800, 1], strides = [1, 1]} : vector<800x4xi32> to vector<800x1xi32>
      %slice3A_457 = vector.extract_strided_slice %get3A_260 {offsets = [0, 1], sizes = [800, 1], strides = [1, 1]} : vector<800x4xi32> to vector<800x1xi32>
      %ne3A_458 = arith.cmpi ne, %slice3A_456, %slice3A_457 : vector<800x1xi32>
      %convert_element_type3A_459 = arith.extui %ne3A_458 : vector<800x1xi1> to vector<800x1xi32>
      %convert_element_type3A_460 = arith.sitofp %convert_element_type3A_459 : vector<800x1xi32> to vector<800x1xf32>
      %mul3A_461 = arith.mulf %mul3A_455, %convert_element_type3A_460 : vector<800x1xf32>
      %slice3A_462 = vector.extract_strided_slice %get3A_260 {offsets = [0, 3], sizes = [800, 1], strides = [1, 1]} : vector<800x4xi32> to vector<800x1xi32>
      %slice3A_463 = vector.extract_strided_slice %get3A_260 {offsets = [0, 2], sizes = [800, 1], strides = [1, 1]} : vector<800x4xi32> to vector<800x1xi32>
      %ne3A_464 = arith.cmpi ne, %slice3A_462, %slice3A_463 : vector<800x1xi32>
      %convert_element_type3A_465 = arith.extui %ne3A_464 : vector<800x1xi1> to vector<800x1xi32>
      %convert_element_type3A_466 = arith.sitofp %convert_element_type3A_465 : vector<800x1xi32> to vector<800x1xf32>
      %mul3A_467 = arith.mulf %mul3A_461, %convert_element_type3A_466 : vector<800x1xf32>
      %mul3A_468 = arith.mulf %select_n3A_449, %mul3A_467 : vector<800x1xf32>
      %reduce_sum3A_469 = vector.shape_cast %mul3A_468 : vector<800x1xf32> to vector<1x800x1xf32>
      %reduce_sum3A_470 = arith.constant dense<0.000000e+00> : vector<1xf32>
      %reduce_sum3A_471 = vector.multi_reduction <add>, %reduce_sum3A_469, %reduce_sum3A_470 [1, 2] : vector<1x800x1xf32> to vector<1xf32>
      %reduce_sum3A_472 = vector.shape_cast %reduce_sum3A_471 : vector<1xf32> to vector<1x1x1xf32>
      %reduce_sum3A_473 = vector.extract %reduce_sum3A_472[0, 0, 0] : f32 from vector<1x1x1xf32>
      %add3A_474 = arith.addf %add3A_411, %reduce_sum3A_473 : f32
      %reduce_sum3A_475 = vector.shape_cast %convert_element_type3A_248 : vector<800x1xf32> to vector<1x800x1xf32>
      %reduce_sum3A_476 = arith.constant dense<0.000000e+00> : vector<1xf32>
      %reduce_sum3A_477 = vector.multi_reduction <add>, %reduce_sum3A_475, %reduce_sum3A_476 [1, 2] : vector<1x800x1xf32> to vector<1xf32>
      %reduce_sum3A_478 = vector.shape_cast %reduce_sum3A_477 : vector<1xf32> to vector<1x1x1xf32>
      %reduce_sum3A_479 = vector.extract %reduce_sum3A_478[0, 0, 0] : f32 from vector<1x1x1xf32>
      %mul3A_480 = arith.constant 1663.55322 : f32
      %mul3A_481 = arith.mulf %mul3A_480, %reduce_sum3A_479 : f32
      %max3A = arith.constant 1.000000e+00 : f32
      %max3A_482 = arith.maximumf %reduce_sum3A_479, %max3A : f32
      %sub3A_483 = arith.subf %reduce_sum3A_254, %add3A_474 : f32
      %sub3A_484 = arith.subf %sub3A_483, %mul3A_481 : f32
      %div3A_485 = arith.divf %sub3A_484, %max3A_482 : f32
      %broadcast_in_dim3A_486 = vector.broadcast %div3A_485 : f32 to vector<1x1xf32>
      %swap3A_487 = arith.constant 0 : index
      %swap3A_488 = arith.constant 0 : index
      %swap3A_489 = vector.load %arg6[%swap3A_487, %swap3A_488] : memref<1x1xf32, #tpu.memory_space<vmem>>, vector<1x1xf32>
      tpu.vector_store %arg6[%swap3A_487, %swap3A_488], %broadcast_in_dim3A_486 {strides = array<i32>} : memref<1x1xf32, #tpu.memory_space<vmem>>, vector<1x1xf32>,
    } else {
    }
    return
  }
  func.func @transform_0(%arg0: i32) -> (i32, i32) {
    %c0_i32 = arith.constant 0 : i32
    %c0_i32_0 = arith.constant 0 : i32
    %c0_i32_1 = arith.constant 0 : i32
    return %c0_i32, %c0_i32_0 : i32, i32
  }
  func.func @transform_1(%arg0: i32) -> (i32, i32) {
    %c0_i32 = arith.constant 0 : i32
    %c0_i32_0 = arith.constant 0 : i32
    return %arg0, %c0_i32 : i32, i32
  }
  func.func @transform_2(%arg0: i32) -> (i32, i32) {
    %c0_i32 = arith.constant 0 : i32
    %c0_i32_0 = arith.constant 0 : i32
    %c0_i32_1 = arith.constant 0 : i32
    return %c0_i32, %c0_i32_0 : i32, i32
  }
  func.func @transform_3(%arg0: i32) -> (i32, i32) {
    %c0_i32 = arith.constant 0 : i32
    %c0_i32_0 = arith.constant 0 : i32
    %c0_i32_1 = arith.constant 0 : i32
    return %c0_i32, %c0_i32_0 : i32, i32
  }
  func.func @transform_4(%arg0: i32) -> (i32, i32) {
    %c0_i32 = arith.constant 0 : i32
    %c0_i32_0 = arith.constant 0 : i32
    %c0_i32_1 = arith.constant 0 : i32
    return %c0_i32, %c0_i32_0 : i32, i32
  }
  func.func @transform_5(%arg0: i32) -> (i32, i32) {
    %c0_i32 = arith.constant 0 : i32
    %c0_i32_0 = arith.constant 0 : i32
    %c0_i32_1 = arith.constant 0 : i32
    return %c0_i32, %c0_i32_0 : i32, i32
  }
}

</mosaic_0001>

<sc_bundles>
// kernel: kernel.4.cloned.1.call-start
scs
__scs_entry_jumppad:
0x0: {  	(pc) =	sbr.rel $0x88, $3  }
0x1: {  	(tag) =	ssettag $0x0;
	lr =	simm.s32 $0x1  }
0x2: {  	[smem:$0x3F9D] =	sst lr;
	_ =	strace $0xD0000000  }
0x3: {  	_ = 	snop  }
0x4: {  	_ = 	snop  }
0x5: {  	_ = 	snop  }
0x6: {  	_ = 	snop  }
0x7: {  	_ = 	snop  }
__scs_overlays_trampoline_lowered:
0x8: {  	[smem:$0x3FAC] =	sst s0  }
0x9: {  	[smem:$0x3FAD] =	sst s1  }
0xa: {  	[smem:$0x3FAE] =	sst s2  }
0xb: {  	[smem:$0x3FAF] =	sst s3  }
0xc: {  	[smem:$0x3FB0] =	sst s4  }
0xd: {  	[smem:$0x3FB1] =	sst s5  }
0xe: {  	[smem:$0x3FB2] =	sst s6  }
0xf: {  	[smem:$0x3FB3] =	sst s7  }
0x10: {  	[smem:$0x3FB4] =	sst s8  }
0x11: {  	[smem:$0x3FB5] =	sst s9;
	s0 =	simm.s32 @!p0 $0x0  }
0x12: {  	s1 =	sld [smem:$0x3F9B];
	s0 =	simm.s32 @p0 $0x1  }
0x13: {  	[smem:$0x3FB6] =	sst s0;
	s0 =	simm.s32 @!p1 $0x0  }
0x14: {  	s2 =	sld [smem:$0x3F9A];
	s0 =	simm.s32 @p1 $0x1  }
0x15: {  	[smem:$0x3FB7] =	sst s0;
	s0 =	simm.s32 @!p2 $0x0  }
0x16: {  	s3 =	sld [smem:$0x3FDB];
	s0 =	simm.s32 @p2 $0x1  }
0x17: {  	s4 =	simm.s32 $0x1BF5;
	[smem:$0x3FB9] =	sst s0  }
0x18: {  	s0 =	sld [smem:$0x3F9C];
	_ =	swait.ge [sflag:s4], $0x0  }
0x19: {  	s7 =	sld [smem:$0x3F9D]  }
0x1a: {  	s8 =	sadd.s32 $0xFFFFE003, lr  }
0x1b: {  	s9 =	sadd.s32 $0xFFFFFEF7, lr;
	s5 =	simm.s32 $0xFFFFFFFF;
	p2 =	slt.u32 s8, $0xFFFFF086  }
0x1c: {  	p1 =	slt.u32 s9, $0xF7A;
	s5 =	simm.s32 @!p2 $0x0  }
0x1d: {  	s5 =	simm.s32 @p1 $0x1;
	p0 =	seq.s32 s7, s2  }
0x1e: {  	s7 =	smul.u32 @!p0 $0xF7A, s2;
	p2 =	seq.s32 @!p0 s5, $0x0  }
0x1f: {  	s9 =	smul.u32 $0xF7A, s1;
	s8 =	simm.s32 @!p0 $0x1BF5;
	p2 =	por !p2, p0  }
0x20: {  	[sflag:s8] =	ssyncset.s32 @!p0 $0xFFFFF086;
	s6 =	sadd.s32 @!p0 s3, s7;
	s7 =	simm.s32 @!p0 $0x108  }
0x21: {  	s3 =	sadd.s32 s3, s9;
	s6 =	sadd.s32 @!p0 $0x88, s6;
	s7 =	simm.s32 @p2 $0x1082  }
0x22: {  	[simem:s7], [sflag:s8] =	dma.local @!p0 [hbm:s6], $0xF7A  }
0x23: {  	s9 =	sor.u32 $0xD0000000, s2;
	s6 =	simm.s32 $0x108;
	_ =	swait.ge @!p0 [sflag:s8], $0x0  }
0x24: {  	s3 =	sadd.s32 $0x88, s3;
	s6 =	simm.s32 @!p1 $0x1082;
	[sflag:s4] =	ssyncset.s32 $0xFFFFF086  }
0x25: {  	[simem:s6], [sflag:s4] =	dma.local [hbm:s3], $0xF7A  }
0x26: {  	[smem:$0x3F9D] =	sst s1;
	(tag) =	ssettag s2;
	_ =	strace s9  }
0x27: {  	s1 =	sld [smem:$0x3FAD]  }
0x28: {  	s2 =	sld [smem:$0x3FAE]  }
0x29: {  	s4 =	sld [smem:$0x3FB0]  }
0x2a: {  	p0 =	seq.s32 s5, $0x0;
	s5 =	sld [smem:$0x3FB1]  }
0x2b: {  	s6 =	sld [smem:$0x3FB2]  }
0x2c: {  	s7 =	sld [smem:$0x3FB3]  }
0x2d: {  	s3 =	simm.s32 $0x108;
	s8 =	sld [smem:$0x3FB4]  }
0x2e: {  	s3 =	simm.s32 @!p0 $0x1082;
	s9 =	sld [smem:$0x3FB5]  }
0x2f: {  	lr =	sadd.s32 s0, s3;
	s0 =	sld [smem:$0x3FAC]  }
0x30: {  	s3 =	sld [smem:$0x3FAF]  }
0x31: {  	[smem:$0x3FB8] =	sst s10  }
0x32: {  	s10 =	sld [smem:$0x3FB6];
	_ =	sdelay $0x3  }
0x33: {  	p0 =	seq.s32 s10, $0x1;
	s10 =	sld [smem:$0x3FB8];
	_ =	sdelay $0x3  }
0x34: {  	[smem:$0x3FB8] =	sst s10  }
0x35: {  	s10 =	sld [smem:$0x3FB7];
	_ =	sdelay $0x3  }
0x36: {  	p1 =	seq.s32 s10, $0x1;
	s10 =	sld [smem:$0x3FB8];
	_ =	sdelay $0x3  }
0x37: {  	[smem:$0x3FB8] =	sst s10  }
0x38: {  	s10 =	sld [smem:$0x3FB9]  }
0x39: {  	_ = 	snop;
	(pc) =	sbr.ind lr, $3  }
0x3a: {  	_ = 	snop  }
0x3b: {  	_ = 	snop  }
0x3c: {  	p2 =	seq.s32 s10, $0x1;
	s10 =	sld [smem:$0x3FB8]  }
0x3d: {  	_ =	shalt  }
0x3e: {  	_ =	shalt  }
0x3f: {  	_ =	shalt  }
0x40: {  	_ =	shalt  }
0x41: {  	_ =	shalt  }
0x42: {  	_ =	shalt  }
0x43: {  	_ =	shalt  }
0x44: {  	_ =	shalt  }
0x45: {  	_ =	shalt  }
0x46: {  	_ =	shalt  }
0x47: {  	_ =	shalt  }
0x48: {  	_ =	shalt  }
0x49: {  	_ =	shalt  }
0x4a: {  	_ =	shalt  }
0x4b: {  	_ =	shalt  }
0x4c: {  	_ =	shalt  }
0x4d: {  	_ =	shalt  }
0x4e: {  	_ =	shalt  }
0x4f: {  	_ =	shalt  }
0x50: {  	_ =	shalt  }
0x51: {  	_ =	shalt  }
0x52: {  	_ =	shalt  }
0x53: {  	_ =	shalt  }
0x54: {  	_ =	shalt  }
0x55: {  	_ =	shalt  }
0x56: {  	_ =	shalt  }
0x57: {  	_ =	shalt  }
0x58: {  	_ =	shalt  }
0x59: {  	_ =	shalt  }
0x5a: {  	_ =	shalt  }
0x5b: {  	_ =	shalt  }
0x5c: {  	_ =	shalt  }
0x5d: {  	_ =	shalt  }
0x5e: {  	_ =	shalt  }
0x5f: {  	_ =	shalt  }
0x60: {  	_ =	shalt  }
0x61: {  	_ =	shalt  }
0x62: {  	_ =	shalt  }
0x63: {  	_ =	shalt  }
0x64: {  	_ =	shalt  }
0x65: {  	_ =	shalt  }
0x66: {  	_ =	shalt  }
0x67: {  	_ =	shalt  }
0x68: {  	_ =	shalt  }
0x69: {  	_ =	shalt  }
0x6a: {  	_ =	shalt  }
0x6b: {  	_ =	shalt  }
0x6c: {  	_ =	shalt  }
0x6d: {  	_ =	shalt  }
0x6e: {  	_ =	shalt  }
0x6f: {  	_ =	shalt  }
0x70: {  	_ =	shalt  }
0x71: {  	_ =	shalt  }
0x72: {  	_ =	shalt  }
0x73: {  	_ =	shalt  }
0x74: {  	_ =	shalt  }
0x75: {  	_ =	shalt  }
0x76: {  	_ =	shalt  }
0x77: {  	_ =	shalt  }
0x78: {  	_ =	shalt  }
0x79: {  	_ =	shalt  }
0x7a: {  	_ =	shalt  }
0x7b: {  	_ =	shalt  }
0x7c: {  	_ =	shalt  }
0x7d: {  	_ =	shalt  }
0x7e: {  	_ =	shalt  }
0x7f: {  	_ =	shalt  }
0x80: {  	_ =	shalt  }
0x81: {  	_ =	shalt  }
0x82: {  	_ =	shalt  }
0x83: {  	_ =	shalt  }
0x84: {  	_ =	shalt  }
0x85: {  	_ =	shalt  }
0x86: {  	_ =	shalt  }
0x87: {  	_ =	shalt  }
.Lfunc_end0:
.L_simem_size_0:
called_computation_lowered:
.L_overlay_start_0:
0x88: {  	s2 =	sld [smem:$0x3FD9]  }
0x89: {  	s3 =	sld [smem:$0x3FFE];
	_ =	sdelay $0x1  }
0x8a: {  	s1 =	srdreg.scid  }
0x8b: {  	s0 =	sand.u32 $0x1, s1  }
0x8c: {  	s16 =	sshll.u32 s0, $0xA;
	s2 =	sadd.s32 s3, s2  }
0x8d: {  	s2 =	sadd.s32 s2, s16  }
0x8e: {  	[smem:$0x3FC4] =	sst s2  }
0x8f: {  	_ = 	snop  }
0x90: {  	(tm) =	ssettm $0x1  }
0x91: {  	s17 =	sld [smem:$0x3FFB];
	_ =	sdelay $0x3  }
0x92: {  	_ =	strace s17  }
0x93: {  	s2 =	sld [smem:$0x3FFC];
	_ =	sdelay $0x3  }
0x94: {  	_ =	strace s2  }
0x95: {  	s2 =	sld [smem:$0x3FFD];
	_ =	sdelay $0x3  }
0x96: {  	_ =	strace s2  }
0x97: {  	_ =	strace $0x8FFFFFFF  }
0x98: {  	s18 =	sld [smem:$0x3FDB];
	_ =	sdelay $0x1  }
0x99: {  	s19 =	simm.s32 $_scs_section_size  }
0x9a: {  	s4 =	simm.s32 $_size__tile_overlayer_lowered;
	s5 =	simm.s32 $_tile_overlayer_lowered  }
0x9b: {  	s22 =	simm.s32 $0x1BFF;
	s21 =	sshll.u32 s5, $0x1;
	s2 =	sadd.s32 s19, s18  }
0x9c: {  	s6 =	simm.s32 $0x0;
	s20 =	sshll.u32 s4, $0x1;
	s4 =	sadd.s32 s21, s2  }
0x9d: {  	[timem:s6], [sflag:s22] =	dma.local [hbm:s4], s20  }
0x9e: {  	_ =	swait.ge [sflag:s22], s20  }
0x9f: {  	s3 =	ssub.s32 $0x0, s20;
	[sflag:s22] =	ssyncset.done $0x0  }
0xa0: {  	[sflag:s22] =	ssyncadd.s32 s3;
	_ =	sdelay $0x1  }
0xa1: {  	s23 =	simm.s32 $0x1B8B  }
0xa2: {  	_ =	swait.ge [sflag:s23], $0x1  }
0xa3: {  	[sflag:s23] =	ssyncset.done $0x0  }
0xa4: {  	s25 =	simm.s32 $0x1B8E;
	s24 =	sld [smem:$0x3FFE];
	[sflag:s23] =	ssyncadd.s32 $0xFFFFFFFF  }
0xa5: {  	s26 =	simm.s32 $execute0_lowered;
	[smem:$0x3FD2] =	sst s25  }
0xa6: {  	s4 =	sshll.u32 s26, $0x1;
	_ =	strace $0x80000046;
	[dreg:$0x1] =	wrdreg $0xFFFFFFFF  }
0xa7: {  	s28 =	simm.s32 $_size_execute0_lowered;
	s2 =	sadd.s32 s2, s4;
	[dreg:$0x0] =	wrdreg $0x0  }
0xa8: {  	s4 =	sshll.u32 s28, $0x1;
	[dreg:$0x2] =	wrdreg s2  }
0xa9: {  	[dreg:$0x3] =	wrdreg s4  }
0xaa: {  	[dreg:$0x4] =	wrdreg $0xC0  }
0xab: {  	_ =	task [dreg:s6], $0x5FFFF  }
0xac: {  	[dreg:$0x1] =	wrdreg $0xFFFFFFFF  }
0xad: {  	[dreg:$0x0] =	wrdreg $0x60  }
0xae: {  	[dreg:$0x2] =	wrdreg s24  }
0xaf: {  	[dreg:$0x3] =	wrdreg $0x9  }
0xb0: {  	_ =	task.clear_ibuf [dreg:s6], $0x4FFFF;
	_ =	strace $0x90000046  }
0xb1: {  	s29 =	simm.s32 $0x9;
	_ =	strace $0x80000048  }
0xb2: {  	_ =	swait.ge [sflag:s29], $0x1  }
0xb3: {  	[sflag:s29] =	ssyncadd.s32 $0xFFFFFFFF  }
0xb4: {  	_ =	strace $0x90000048  }
0xb5: {  	_ =	sfence  }
0xb6: {  	s30 =	sld [smem:$0x0];
	_ =	sdelay $0x2  }
0xb7: {  	s31 =	sshll.u32 s1, $0xD;
	s1 =	sshrl.u32 s1, $0x2  }
0xb8: {  	s3 =	sand.u32 $0x4000, s31;
	s1 =	sadd.s32 s1, s30  }
0xb9: {  	s0 =	sor.u32 s3, s0;
	s1 =	sshll.u32 s1, $0x11  }
0xba: {  	s0 =	sor.u32 s1, s0  }
0xbb: {  	s0 =	sadd.s32 $0x8F2B, s0  }
0xbc: {  	[sflag:s0] =	ssyncadd.remote.s32 $0x1  }
0xbd: {  	_ =	sfence.sel $0xFFFF  }
0xbe: {  	[dreg:$0x0] =	wrdreg $0xFFFFFFFF;
	(pc) =	sbr.abs _section_cstart, $3  }
0xbf: {  	[dreg:$0x1] =	wrdreg $0xFFFFFFFF  }
0xc0: {  	_ =	task.clear_ibuf [dreg:s6], $0x2FFFF;
	_ =	strace $0x9FFFFFFF  }
0xc1: {  	(tm) =	ssettm $0x7FFFFFFF  }
tec
execute0_lowered:
.L_overlay_start_1:
0x0: {  	(tag) =	ssettag $0x1  }
0x1: {  	s1 =	srdreg.scid;
	s0 =	stileid.u32  }
0x2: {  	s6 =	sand.u32 $0x1, s1;
	s30 =	sshll.u32 s0, $0x1  }
0x3: {  	s9 =	rddreg [dreg:$0x0];
	s7 =	sor.u32 s6, s30  }
0x4: {  	s2 =	simm.s32 $0x0;
	s1 =	rddreg [dreg:$0x1];
	s3 =	smul.u32 $0xD, s7  }
0x5: {  	s8 =	simm.s32 $0x1;
	[smem:$0x7FF] =	sst s2;
	s5 =	sadd.s32 $0x187600, s9  }
0x6: {  	_ =	strace $0x80000047;
	s11 =	ssub.s32 $0x2, s6;
	s3 =	sadd.s32 s3, s9  }
0x7: {  	s6 =	simm.s32 $0x68;
	s4 =	sadd.s32 $0x24AC00, s3;
	s3 =	simm.s32 $0x2  }
0x8: {  	[tilespmem:s2], [sflag:$0x2] =	stream.linear.gather [hbm4b:s4+s2], $0x68, $0x38;
	[tilespmem:$0x3480] =	vst v63  }
0x9: {  	s10 =	smul.u32 $0x680, s7;
	s12 =	sshrl.u32 s11, $0x1;
	_ =	swait.ge [sflag:s3], $0x68  }
0xa: {  	s7 =	simm.s32 $0x80;
	s31 =	ssub.s32 s11, s12;
	[sflag:s3] =	ssyncset.done $0x0  }
0xb: {  	s9 =	sadd.s32 s10, s9;
	s10 =	smax.u32 s31, $0x1;
	[sflag:s3] =	ssyncadd.s32 $0xFFFFFF98  }
0xc: {  	[tilespmem:s7], [sflag:$0x1] =	stream.indirect.gather [hbm4b:s5+s6], $0x80, s2, s6, $0xb8;
	[tilespmem:$0x3480] =	vst v63  }
0xd: {  	p0 =	sne.s32 s10, $0x1;
	_ =	swait.ge [sflag:s8], $0x3400  }
.Ltmp0:
0xe: {  	[sflag:s8] =	ssyncset.done $0x0;
	(pc) =	sbr.rel @!p0 .LBB2_2-.Ltmp0, $4  }
0xf: {  	s9 =	sadd.s32 $0x24AE00, s9;
	[sflag:s8] =	ssyncadd.s32 $0xFFFFCC00  }
0x10: {  	[hbm4b:s9+s2] =	stream.linear.scatter [tilespmem:s7], [sflag:$0x2], $0x3400, $0x38;
	[tilespmem:$0x3480] =	vst v63  }
0x11: {  	_ =	swait.ge [sflag:s3], $0x3400  }
0x12: {  	s10 =	sadd.s32 $0xFFFFFFFF, s10;
	[sflag:s3] =	ssyncset.done $0x0  }
.LBB2_1:
0x13: {  	p0 =	sne.s32 s10, $0x1;
	s10 =	sadd.s32 $0xFFFFFFFF, s10;
	[sflag:s3] =	ssyncadd.s32 $0xFFFFCC00  }
0x14: {  	[tilespmem:s2], [sflag:$0x2] =	stream.linear.gather [hbm4b:s4+s2], $0x68, $0x38;
	[tilespmem:$0x3480] =	vst v63  }
0x15: {  	_ =	swait.ge [sflag:s3], $0x68  }
0x16: {  	[sflag:s3] =	ssyncset.done $0x0  }
0x17: {  	[sflag:s3] =	ssyncadd.s32 $0xFFFFFF98  }
0x18: {  	[tilespmem:s7], [sflag:$0x1] =	stream.indirect.gather [hbm4b:s5+s6], $0x80, s2, s6, $0xb8;
	[tilespmem:$0x3480] =	vst v63  }
0x19: {  	_ =	swait.ge [sflag:s8], $0x3400  }
.Ltmp1:
0x1a: {  	[sflag:s8] =	ssyncset.done $0x0;
	(pc) =	sbr.rel @p0 .LBB2_1-.Ltmp1, $4  }
0x1b: {  	[sflag:s8] =	ssyncadd.s32 $0xFFFFCC00  }
0x1c: {  	[hbm4b:s9+s2] =	stream.linear.scatter [tilespmem:s7], [sflag:$0x2], $0x3400, $0x38;
	[tilespmem:$0x3480] =	vst v63  }
0x1d: {  	_ =	swait.ge [sflag:s3], $0x3400  }
0x1e: {  	[sflag:s3] =	ssyncset.done $0x0  }
.LBB2_2:
0x1f: {  	[sflag:s3] =	ssyncadd.s32 $0xFFFFCC00  }
0x20: {  	_ =	sfence.sel $0x180000  }
0x21: {  	[bflag:$0x0] =	sbarrier.arrive $0xFFFF  }
0x22: {  	p0 =	sne.s32 s0, $0x0;
	_ =	strace $0x90000047  }
0x23: {  	s0 =	sadd.s32 @!p0 $0x100000, s1;
	[bflag:$0x2] =	sbarrier.arrive $0xFFFF  }
0x24: {  	[sflag:s0] =	ssyncadd.tile.s32 @!p0 $0x1;
	_ =	shalt  }
.Lfunc_end2:
_tile_overlayer_lowered:
.L_overlay_start_2:
0x25: {  	(tag) =	ssettag $0x2  }
0x26: {  	s0 =	rddreg [dreg:$0x0];
	s2 =	stileid.u32  }
0x27: {  	s1 =	rddreg [dreg:$0x1];
	p0 =	sne.s32 s2, $0x0  }
0x28: {  	s3 =	rddreg [dreg:$0x2];
	[bflag:$0x3] =	sbarrier.arrive $0xFFFF;
	s2 =	simm.s32 @!p0 $0x1C02  }
0x29: {  	[timem:s3], [sflag:s2] =	dma.local @!p0 [hbm:s0], s1  }
0x2a: {  	s0 =	simm.s32 @!p0 $0x2  }
0x2b: {  	_ =	swait.ge @!p0 [sflag:s0], s1  }
0x2c: {  	s1 =	ssub.s32 @!p0 $0x0, s1;
	[sflag:s0] =	ssyncset.done @!p0 $0x0  }
0x2d: {  	[sflag:s0] =	ssyncadd.s32 @!p0 s1  }
0x2e: {  	[bflag:$0x3] =	sbarrier.arrive $0xFFFF  }
0x2f: {  	_ =	shalt  }

</sc_bundles>
